<compile_context>
chip_gen: v7x
topology: tpu7x:2x2x1
jax: 0.10.2.dev20260603
libtpu: 0.0.44.dev20260713+nightly
codegen_flags: <defaults>
</compile_context>

<pallas_src>
import functools

import jax
import jax.numpy as jnp
from jax import lax
from jax.experimental import pallas as pl
from jax.experimental.pallas import tpu as pltpu
from jax.experimental.pallas import tpu_sc as plsc

D = 128
T = 8192
N_ACT = 18
NC = 2
NS = 16
L = 16
NW = NC * NS
CPW = T // NW
SUB = 128
NSUB = CPW // SUB
GRP = 16
BL = CPW + 8


def _sc_body(obs_h, actp_h, rew_h, done_h, t0_h, actT_h, timeT_h, w_h, b_h,
             x_h, tout_h,
             done_v, tidx_v, aidx_v, rew_v, w_v, b_v, t0_v, tout_v,
             obs0_v, obs1_v, ts_v, act_v,
             sem_o0, sem_o1, sem_ta, sem_tb, sem_x0, sem_x1,
             sem_done, sem_small, sem_idx):
    c = lax.axis_index("c")
    s = lax.axis_index("s")
    wid = s * NC + c
    base = wid * CPW

    cp_done = pltpu.async_copy(done_h.at[pl.ds(0, L)], done_v.at[pl.ds(0, L)], sem_done)
    cp_t0 = pltpu.async_copy(t0_h, t0_v, sem_small)
    cp_idx = []

    cp_done.wait()
    cp_t0.wait()
    t0 = t0_v[...]
    lanes = lax.broadcasted_iota(jnp.int32, (L,), 0)

    def _pref_body(k, acc):
        off = k * L
        dv = done_v[pl.ds(off, L)]
        gidx = lanes + off
        vals = jnp.where(gidx < base, (gidx + t0) * dv, 0)
        return jnp.maximum(acc, vals)

    m_s = jnp.int32(0)
    t0_s = jnp.max(t0)

    fB = pl.multiple_of(jnp.clip(((t0_s + base - m_s) >> 3) << 3, 0, T - BL), 8)


    last = jnp.full((L,), L - 1, jnp.int32)
    m_splat = jnp.full((L,), m_s, jnp.int32)
    for kk in range(CPW // L):
        off = base + kk * L
        dv = done_v[pl.ds(off, L)]
        iv = lanes + off + t0
        tidx_v[kk // (SUB // L), pl.ds((kk % (SUB // L)) * L, L)] = iv


    fB_spl = jnp.full((L,), fB, jnp.int32)
    jis = [lanes + j * L for j in range(D // L)]
    wjs = [w_v[pl.ds(j * L, L)] for j in range(D // L)]
    bjs = [b_v[pl.ds(j * L, L)] for j in range(D // L)]

    def compute(sub, obs_v):
        def _grp(g):
            rv = rew_v[sub, pl.ds(g, GRP)]
            tv = tidx_v[sub, pl.ds(g, GRP)]
            av = aidx_v[sub, pl.ds(g, GRP)]
            lv = jnp.where(tv >= fB_spl, tv - fB_spl + CPW, tv)
            for rl in range(GRP):
                r = g + rl
                sel = jnp.full((L,), rl, jnp.int32)
                rs = rv.at[sel].get(mode="promise_in_bounds")
                l_spl = lv.at[sel].get(mode="promise_in_bounds")
                a_spl = av.at[sel].get(mode="promise_in_bounds")
                for j in range(D // L):
                    sl = pl.ds(j * L, L)
                    trow = plsc.load_gather(ts_v, [l_spl, jis[j]])
                    arow = plsc.load_gather(act_v, [a_spl, jis[j]])
                    obs_v[r, sl] = (obs_v[r, sl] + trow + arow
                                    + rs * wjs[j] + bjs[j])
        plsc.parallel_loop(0, SUB, GRP)(_grp)

    cp_x0 = pltpu.async_copy(obs0_v.at[pl.ds(0, L)], x_h.at[pl.ds(base, L)], sem_x0)
    cp_x1 = pltpu.async_copy(obs1_v.at[pl.ds(0, L)], x_h.at[pl.ds(base + SUB, L)], sem_x1)

    @pl.when(wid == NW - 1)
    def _():
        tout_v[...] = t0 + (jnp.int32(T) - m_splat)
        pltpu.sync_copy(tout_v, tout_h)

    cp_x0.wait()
    cp_x1.wait()


@jax.jit
def _run(obs, act_i, rew_p, done_i, t0_vec, act_table, time_table, w, b):
    mesh = plsc.VectorSubcoreMesh(core_axis_name="c", subcore_axis_name="s")
    f = functools.partial(
        pl.kernel,
        out_type=[
            jax.ShapeDtypeStruct((T, D), jnp.float32),
            jax.ShapeDtypeStruct((L,), jnp.int32),
        ],
        mesh=mesh,
        compiler_params=pltpu.CompilerParams(needs_layout_passes=False),
        scratch_types=[
            pltpu.VMEM((T,), jnp.int32),
            pltpu.VMEM((NSUB, SUB), jnp.int32),
            pltpu.VMEM((NSUB, SUB), jnp.int32),
            pltpu.VMEM((NSUB, SUB), jnp.float32),
            pltpu.VMEM((D,), jnp.float32),
            pltpu.VMEM((D,), jnp.float32),
            pltpu.VMEM((L,), jnp.int32),
            pltpu.VMEM((L,), jnp.int32),
            pltpu.VMEM((SUB, D), jnp.float32),
            pltpu.VMEM((SUB, D), jnp.float32),
            pltpu.VMEM((CPW + BL, D), jnp.float32),
            pltpu.VMEM((N_ACT, D), jnp.float32),
            pltpu.SemaphoreType.DMA,
            pltpu.SemaphoreType.DMA,
            pltpu.SemaphoreType.DMA,
            pltpu.SemaphoreType.DMA,
            pltpu.SemaphoreType.DMA,
            pltpu.SemaphoreType.DMA,
            pltpu.SemaphoreType.DMA,
            pltpu.SemaphoreType.DMA,
            pltpu.SemaphoreType.DMA,
        ],
    )(_sc_body)
    return f(obs, act_i, rew_p, done_i, t0_vec, act_table, time_table, w, b)


def kernel(obs, act_p, rew_p, done, time_init, act_table, time_table, rew_W, rew_b):
    act_i = act_p.astype(jnp.int32)
    done_i = done.astype(jnp.int32)
    t0_vec = jnp.full((L,), time_init.astype(jnp.int32), jnp.int32)
    x, tv = _run(obs, act_i, rew_p, done_i, t0_vec, act_table, time_table,
                 rew_W.reshape(D), rew_b)
    return (x, done, tv[0])

# --- scband reference (transcript-rebuilt; emitter-appended) ---
"""Pipeline reference for scband-obs-act-rew-time-embed-71279277244593 (READ-ONLY COPY).

The authoritative reference and input builder live on the scoring server;
editing this copy changes nothing except your own understanding.
"""

import jax, jax.numpy as jnp
import numpy as np

D_EMBD = 128
N_ACTS = 18
N_STEPS_MAX = 8192
T = 8192

def setup_inputs(seed: int = 0) -> dict:
    key = jax.random.key(seed)
    k1, k2, k3, k4, k5, k6, k7 = jax.random.split(key, 7)
    obs = jax.random.normal(k1, (T, D_EMBD), dtype=jnp.float32)
    act_p = jax.random.randint(k2, (T,), 0, N_ACTS, dtype=jnp.int64)
    rew_p = jax.random.normal(k3, (T,), dtype=jnp.float32)
    done = jax.random.randint(k4, (T,), 0, 2, dtype=jnp.int64)
    act_table = jax.random.normal(k5, (N_ACTS, D_EMBD), dtype=jnp.float32) * 0.02
    time_table = jax.random.normal(k6, (N_STEPS_MAX, D_EMBD), dtype=jnp.float32) * 0.02
    rew_W = jax.random.normal(k7, (1, D_EMBD), dtype=jnp.float32) * 0.02
    rew_b = jnp.zeros((D_EMBD,), dtype=jnp.float32)
    time_init = jnp.zeros((), dtype=jnp.int32)
    return {"obs": obs, "act_p": act_p, "rew_p": rew_p, "done": done,
            "time_init": time_init, "act_table": act_table,
            "time_table": time_table, "rew_W": rew_W, "rew_b": rew_b}

def reference(obs, act_p, rew_p, done, time_init, act_table, time_table, rew_W, rew_b):
    T_ = act_p.shape[0]
    time = time_init.astype(jnp.int32) + jnp.arange(T_, dtype=jnp.int32)
    done_i = done.astype(jnp.int32)
    time = time - jax.lax.associative_scan(jnp.maximum, time * done_i)
    # obs_embed modeled as identity on pre-embedded obs (oe_state=None)
    x_obs = obs
    x_act = jnp.take(act_table, act_p, axis=0)
    x_rew = rew_p[..., None] @ rew_W + rew_b
    x_time = jnp.take(time_table, time, axis=0)
    x = x_obs + x_act + x_rew + x_time
    time_out = time[-1] + 1
    return (x, done, time_out)

if __name__ == "__main__":
    import jax
    _d = setup_inputs()
    print(jax.jit(kernel)(*tuple(_d.values())))

</pallas_src>

<mosaic_0001>
#map = affine_map<(d0, d1) -> (0, 0)>
#map1 = affine_map<(d0, d1) -> (0)>
module attributes {stable_mosaic.version = 14 : i64} {
  func.func @_sc_body(%arg0: i32, %arg1: i32, %arg2: memref<8192x128xf32, #tpu.memory_space<hbm>>, %arg3: memref<8192xi32, #tpu.memory_space<hbm>>, %arg4: memref<8192xf32, #tpu.memory_space<hbm>>, %arg5: memref<8192xi32, #tpu.memory_space<hbm>>, %arg6: memref<16xi32, #tpu.memory_space<hbm>>, %arg7: memref<18x128xf32, #tpu.memory_space<hbm>>, %arg8: memref<8192x128xf32, #tpu.memory_space<hbm>>, %arg9: memref<128xf32, #tpu.memory_space<hbm>>, %arg10: memref<128xf32, #tpu.memory_space<hbm>>, %arg11: memref<8192x128xf32, #tpu.memory_space<hbm>>, %arg12: memref<16xi32, #tpu.memory_space<hbm>>, %arg13: memref<8192xi32, #tpu.memory_space<vmem>>, %arg14: memref<2x128xi32, #tpu.memory_space<vmem>>, %arg15: memref<2x128xi32, #tpu.memory_space<vmem>>, %arg16: memref<2x128xf32, #tpu.memory_space<vmem>>, %arg17: memref<128xf32, #tpu.memory_space<vmem>>, %arg18: memref<128xf32, #tpu.memory_space<vmem>>, %arg19: memref<16xi32, #tpu.memory_space<vmem>>, %arg20: memref<16xi32, #tpu.memory_space<vmem>>, %arg21: memref<128x128xf32, #tpu.memory_space<vmem>>, %arg22: memref<128x128xf32, #tpu.memory_space<vmem>>, %arg23: memref<520x128xf32, #tpu.memory_space<vmem>>, %arg24: memref<18x128xf32, #tpu.memory_space<vmem>>, %arg25: memref<!tpu.dma_semaphore, #tpu.memory_space<semaphore_mem>>, %arg26: memref<!tpu.dma_semaphore, #tpu.memory_space<semaphore_mem>>, %arg27: memref<!tpu.dma_semaphore, #tpu.memory_space<semaphore_mem>>, %arg28: memref<!tpu.dma_semaphore, #tpu.memory_space<semaphore_mem>>, %arg29: memref<!tpu.dma_semaphore, #tpu.memory_space<semaphore_mem>>, %arg30: memref<!tpu.dma_semaphore, #tpu.memory_space<semaphore_mem>>, %arg31: memref<!tpu.dma_semaphore, #tpu.memory_space<semaphore_mem>>, %arg32: memref<!tpu.dma_semaphore, #tpu.memory_space<semaphore_mem>>, %arg33: memref<!tpu.dma_semaphore, #tpu.memory_space<semaphore_mem>>) attributes {dimension_semantics = [#tpu.dimension_semantics<core_parallel>, #tpu.dimension_semantics<subcore_parallel>], iteration_bounds = array<i64: 2, 16>, scalar_prefetch = 0 : i64, scratch_operands = 21 : i64, tpu.core_type = #tpu.core_type<sc_vector_subcore>, window_params = [{transform_indices = #map}, {transform_indices = #map1}, {transform_indices = #map1}, {transform_indices = #map1}, {transform_indices = #map1}, {transform_indices = #map}, {transform_indices = #map}, {transform_indices = #map1}, {transform_indices = #map1}, {transform_indices = #map}, {transform_indices = #map1}]} {
    %mul3A = arith.constant 2 : i32
    %mul3A_0 = arith.muli %arg1, %mul3A : i32
    %add3A = arith.addi %mul3A_0, %arg0 : i32
    %mul3A_1 = arith.constant 256 : i32
    %mul3A_2 = arith.muli %add3A, %mul3A_1 : i32
    %dma_start3A = arith.constant 0 : i32
    %dma_start3A_3 = tpu.memref_slice %arg13[%dma_start3A] : memref<8192xi32, #tpu.memory_space<vmem>> -> memref<16xi32, #tpu.memory_space<vmem>>
    %dma_start3A_4 = arith.constant 0 : i32
    %dma_start3A_5 = tpu.memref_slice %arg5[%dma_start3A_4] : memref<8192xi32, #tpu.memory_space<hbm>> -> memref<16xi32, #tpu.memory_space<hbm>>
    %dma_start3A_6 = arith.constant 0 : i32
    %dma_start3A_7 = tpu.memref_slice %arg13[%dma_start3A_6] : memref<8192xi32, #tpu.memory_space<vmem>> -> memref<16xi32, #tpu.memory_space<vmem>>
    %dma_start3A_8 = arith.constant 0 : i32
    %dma_start3A_9 = tpu.memref_slice %arg5[%dma_start3A_8] : memref<8192xi32, #tpu.memory_space<hbm>> -> memref<16xi32, #tpu.memory_space<hbm>>
    tpu.enqueue_dma source(%dma_start3A_9 : memref<16xi32, #tpu.memory_space<hbm>>) target(%dma_start3A_7 : memref<16xi32, #tpu.memory_space<vmem>>) target_semaphore(%arg31 : memref<!tpu.dma_semaphore, #tpu.memory_space<semaphore_mem>>)
    tpu.enqueue_dma source(%arg6 : memref<16xi32, #tpu.memory_space<hbm>>) target(%arg19 : memref<16xi32, #tpu.memory_space<vmem>>) target_semaphore(%arg32 : memref<!tpu.dma_semaphore, #tpu.memory_space<semaphore_mem>>)
    %dma_wait3A = arith.constant 0 : i32
    %dma_wait3A_10 = tpu.memref_slice %arg13[%dma_wait3A] : memref<8192xi32, #tpu.memory_space<vmem>> -> memref<16xi32, #tpu.memory_space<vmem>>
    %dma_wait3A_11 = arith.constant 0 : i32
    %dma_wait3A_12 = tpu.memref_slice %arg5[%dma_wait3A_11] : memref<8192xi32, #tpu.memory_space<hbm>> -> memref<16xi32, #tpu.memory_space<hbm>>
    %dma_wait3A_13 = arith.constant 0 : i32
    %dma_wait3A_14 = tpu.memref_slice %arg13[%dma_wait3A_13] : memref<8192xi32, #tpu.memory_space<vmem>> -> memref<16xi32, #tpu.memory_space<vmem>>
    %dma_wait3A_15 = arith.constant 0 : i32
    %dma_wait3A_16 = tpu.memref_slice %arg5[%dma_wait3A_15] : memref<8192xi32, #tpu.memory_space<hbm>> -> memref<16xi32, #tpu.memory_space<hbm>>
    tpu.wait_dma2 semaphore(%arg31 : memref<!tpu.dma_semaphore, #tpu.memory_space<semaphore_mem>>) src(%dma_wait3A_16 : memref<16xi32, #tpu.memory_space<hbm>>) dst(%dma_wait3A_14 : memref<16xi32, #tpu.memory_space<vmem>>)
    tpu.wait_dma2 semaphore(%arg32 : memref<!tpu.dma_semaphore, #tpu.memory_space<semaphore_mem>>) src(%arg6 : memref<16xi32, #tpu.memory_space<hbm>>) dst(%arg19 : memref<16xi32, #tpu.memory_space<vmem>>)
    %get3A = arith.constant 0 : index
    %get3A_17 = tpu.vector_load %arg19[%get3A] {strides = array<i32>} : memref<16xi32, #tpu.memory_space<vmem>>, vector<16xi32>,
    %iota3A = tpu.iota {dimensions = array<i32: 0>} : vector<16xi32>
    %reduce_max3A = arith.constant true
    %reduce_max3A_18 = vector.broadcast %reduce_max3A : i1 to vector<16xi1>
    %reduce_max3A_19 = arith.constant -2147483648 : i32
    %reduce_max3A_20 = vector.broadcast %reduce_max3A_19 : i32 to vector<16xi32>
    %reduce_max3A_21 = arith.xori %get3A_17, %reduce_max3A_20 : vector<16xi32>
    %reduce_max3A_22 = tpu.scan <max>, %reduce_max3A_21 masked %reduce_max3A_18 : vector<16xi32>, vector<16xi1> -> vector<16xi32>
    %reduce_max3A_23 = arith.xori %reduce_max3A_22, %reduce_max3A_20 : vector<16xi32>
    %reduce_max3A_24 = vector.extract %reduce_max3A_23[15] : i32 from vector<16xi32>
    %add3A_25 = arith.addi %reduce_max3A_24, %mul3A_2 : i32
    %sub3A = arith.constant 0 : i32
    %sub3A_26 = arith.subi %add3A_25, %sub3A : i32
    %shift_right_arithmetic3A = arith.constant 3 : i32
    %shift_right_arithmetic3A_27 = arith.shrsi %sub3A_26, %shift_right_arithmetic3A : i32
    %shift_left3A = arith.constant 3 : i32
    %shift_left3A_28 = arith.shli %shift_right_arithmetic3A_27, %shift_left3A : i32
    %jit3A = arith.constant 0 : i32
    %jit3A_29 = arith.constant 7928 : i32
    %max3A = arith.maxsi %jit3A, %shift_left3A_28 : i32
    %min3A = arith.minsi %jit3A_29, %max3A : i32
    %multiple_of3A = tpu.assume_multiple %min3A, 8 : i32
    %broadcast_in_dim3A = arith.constant 15 : i32
    %broadcast_in_dim3A_30 = vector.broadcast %broadcast_in_dim3A : i32 to vector<16xi32>
    %broadcast_in_dim3A_31 = arith.constant 0 : i32
    %broadcast_in_dim3A_32 = vector.broadcast %broadcast_in_dim3A_31 : i32 to vector<16xi32>
    %add3A_33 = arith.constant 0 : i32
    %add3A_34 = arith.addi %mul3A_2, %add3A_33 : i32
    %get3A_35 = arith.index_cast %add3A_34 : i32 to index
    %get3A_36 = tpu.vector_load %arg13[%get3A_35] {strides = array<i32>} : memref<8192xi32, #tpu.memory_space<vmem>>, vector<16xi32>,
    %add3A_37 = vector.broadcast %add3A_34 : i32 to vector<16xi32>
    %add3A_38 = arith.addi %iota3A, %add3A_37 : vector<16xi32>
    %add3A_39 = arith.addi %add3A_38, %get3A_17 : vector<16xi32>
    %swap3A = arith.constant 0 : i32
    %swap3A_40 = arith.index_cast %swap3A : i32 to index
    %swap3A_41 = arith.constant 0 : index
    %swap3A_42 = tpu.vector_load %arg14[%swap3A_40, %swap3A_41] {strides = array<i32>} : memref<2x128xi32, #tpu.memory_space<vmem>>, vector<16xi32>,
    tpu.vector_store %arg14[%swap3A_40, %swap3A_41], %add3A_39 {strides = array<i32>} : memref<2x128xi32, #tpu.memory_space<vmem>>, vector<16xi32>,
    %add3A_43 = arith.constant 16 : i32
    %add3A_44 = arith.addi %mul3A_2, %add3A_43 : i32
    %get3A_45 = arith.index_cast %add3A_44 : i32 to index
    %get3A_46 = tpu.vector_load %arg13[%get3A_45] {strides = array<i32>} : memref<8192xi32, #tpu.memory_space<vmem>>, vector<16xi32>,
    %add3A_47 = vector.broadcast %add3A_44 : i32 to vector<16xi32>
    %add3A_48 = arith.addi %iota3A, %add3A_47 : vector<16xi32>
    %add3A_49 = arith.addi %add3A_48, %get3A_17 : vector<16xi32>
    %swap3A_50 = arith.constant 0 : i32
    %swap3A_51 = arith.index_cast %swap3A_50 : i32 to index
    %swap3A_52 = arith.constant 16 : index
    %swap3A_53 = tpu.vector_load %arg14[%swap3A_51, %swap3A_52] {strides = array<i32>} : memref<2x128xi32, #tpu.memory_space<vmem>>, vector<16xi32>,
    tpu.vector_store %arg14[%swap3A_51, %swap3A_52], %add3A_49 {strides = array<i32>} : memref<2x128xi32, #tpu.memory_space<vmem>>, vector<16xi32>,
    %add3A_54 = arith.constant 32 : i32
    %add3A_55 = arith.addi %mul3A_2, %add3A_54 : i32
    %get3A_56 = arith.index_cast %add3A_55 : i32 to index
    %get3A_57 = tpu.vector_load %arg13[%get3A_56] {strides = array<i32>} : memref<8192xi32, #tpu.memory_space<vmem>>, vector<16xi32>,
    %add3A_58 = vector.broadcast %add3A_55 : i32 to vector<16xi32>
    %add3A_59 = arith.addi %iota3A, %add3A_58 : vector<16xi32>
    %add3A_60 = arith.addi %add3A_59, %get3A_17 : vector<16xi32>
    %swap3A_61 = arith.constant 0 : i32
    %swap3A_62 = arith.index_cast %swap3A_61 : i32 to index
    %swap3A_63 = arith.constant 32 : index
    %swap3A_64 = tpu.vector_load %arg14[%swap3A_62, %swap3A_63] {strides = array<i32>} : memref<2x128xi32, #tpu.memory_space<vmem>>, vector<16xi32>,
    tpu.vector_store %arg14[%swap3A_62, %swap3A_63], %add3A_60 {strides = array<i32>} : memref<2x128xi32, #tpu.memory_space<vmem>>, vector<16xi32>,
    %add3A_65 = arith.constant 48 : i32
    %add3A_66 = arith.addi %mul3A_2, %add3A_65 : i32
    %get3A_67 = arith.index_cast %add3A_66 : i32 to index
    %get3A_68 = tpu.vector_load %arg13[%get3A_67] {strides = array<i32>} : memref<8192xi32, #tpu.memory_space<vmem>>, vector<16xi32>,
    %add3A_69 = vector.broadcast %add3A_66 : i32 to vector<16xi32>
    %add3A_70 = arith.addi %iota3A, %add3A_69 : vector<16xi32>
    %add3A_71 = arith.addi %add3A_70, %get3A_17 : vector<16xi32>
    %swap3A_72 = arith.constant 0 : i32
    %swap3A_73 = arith.index_cast %swap3A_72 : i32 to index
    %swap3A_74 = arith.constant 48 : index
    %swap3A_75 = tpu.vector_load %arg14[%swap3A_73, %swap3A_74] {strides = array<i32>} : memref<2x128xi32, #tpu.memory_space<vmem>>, vector<16xi32>,
    tpu.vector_store %arg14[%swap3A_73, %swap3A_74], %add3A_71 {strides = array<i32>} : memref<2x128xi32, #tpu.memory_space<vmem>>, vector<16xi32>,
    %add3A_76 = arith.constant 64 : i32
    %add3A_77 = arith.addi %mul3A_2, %add3A_76 : i32
    %get3A_78 = arith.index_cast %add3A_77 : i32 to index
    %get3A_79 = tpu.vector_load %arg13[%get3A_78] {strides = array<i32>} : memref<8192xi32, #tpu.memory_space<vmem>>, vector<16xi32>,
    %add3A_80 = vector.broadcast %add3A_77 : i32 to vector<16xi32>
    %add3A_81 = arith.addi %iota3A, %add3A_80 : vector<16xi32>
    %add3A_82 = arith.addi %add3A_81, %get3A_17 : vector<16xi32>
    %swap3A_83 = arith.constant 0 : i32
    %swap3A_84 = arith.index_cast %swap3A_83 : i32 to index
    %swap3A_85 = arith.constant 64 : index
    %swap3A_86 = tpu.vector_load %arg14[%swap3A_84, %swap3A_85] {strides = array<i32>} : memref<2x128xi32, #tpu.memory_space<vmem>>, vector<16xi32>,
    tpu.vector_store %arg14[%swap3A_84, %swap3A_85], %add3A_82 {strides = array<i32>} : memref<2x128xi32, #tpu.memory_space<vmem>>, vector<16xi32>,
    %add3A_87 = arith.constant 80 : i32
    %add3A_88 = arith.addi %mul3A_2, %add3A_87 : i32
    %get3A_89 = arith.index_cast %add3A_88 : i32 to index
    %get3A_90 = tpu.vector_load %arg13[%get3A_89] {strides = array<i32>} : memref<8192xi32, #tpu.memory_space<vmem>>, vector<16xi32>,
    %add3A_91 = vector.broadcast %add3A_88 : i32 to vector<16xi32>
    %add3A_92 = arith.addi %iota3A, %add3A_91 : vector<16xi32>
    %add3A_93 = arith.addi %add3A_92, %get3A_17 : vector<16xi32>
    %swap3A_94 = arith.constant 0 : i32
    %swap3A_95 = arith.index_cast %swap3A_94 : i32 to index
    %swap3A_96 = arith.constant 80 : index
    %swap3A_97 = tpu.vector_load %arg14[%swap3A_95, %swap3A_96] {strides = array<i32>} : memref<2x128xi32, #tpu.memory_space<vmem>>, vector<16xi32>,
    tpu.vector_store %arg14[%swap3A_95, %swap3A_96], %add3A_93 {strides = array<i32>} : memref<2x128xi32, #tpu.memory_space<vmem>>, vector<16xi32>,
    %add3A_98 = arith.constant 96 : i32
    %add3A_99 = arith.addi %mul3A_2, %add3A_98 : i32
    %get3A_100 = arith.index_cast %add3A_99 : i32 to index
    %get3A_101 = tpu.vector_load %arg13[%get3A_100] {strides = array<i32>} : memref<8192xi32, #tpu.memory_space<vmem>>, vector<16xi32>,
    %add3A_102 = vector.broadcast %add3A_99 : i32 to vector<16xi32>
    %add3A_103 = arith.addi %iota3A, %add3A_102 : vector<16xi32>
    %add3A_104 = arith.addi %add3A_103, %get3A_17 : vector<16xi32>
    %swap3A_105 = arith.constant 0 : i32
    %swap3A_106 = arith.index_cast %swap3A_105 : i32 to index
    %swap3A_107 = arith.constant 96 : index
    %swap3A_108 = tpu.vector_load %arg14[%swap3A_106, %swap3A_107] {strides = array<i32>} : memref<2x128xi32, #tpu.memory_space<vmem>>, vector<16xi32>,
    tpu.vector_store %arg14[%swap3A_106, %swap3A_107], %add3A_104 {strides = array<i32>} : memref<2x128xi32, #tpu.memory_space<vmem>>, vector<16xi32>,
    %add3A_109 = arith.constant 112 : i32
    %add3A_110 = arith.addi %mul3A_2, %add3A_109 : i32
    %get3A_111 = arith.index_cast %add3A_110 : i32 to index
    %get3A_112 = tpu.vector_load %arg13[%get3A_111] {strides = array<i32>} : memref<8192xi32, #tpu.memory_space<vmem>>, vector<16xi32>,
    %add3A_113 = vector.broadcast %add3A_110 : i32 to vector<16xi32>
    %add3A_114 = arith.addi %iota3A, %add3A_113 : vector<16xi32>
    %add3A_115 = arith.addi %add3A_114, %get3A_17 : vector<16xi32>
    %swap3A_116 = arith.constant 0 : i32
    %swap3A_117 = arith.index_cast %swap3A_116 : i32 to index
    %swap3A_118 = arith.constant 112 : index
    %swap3A_119 = tpu.vector_load %arg14[%swap3A_117, %swap3A_118] {strides = array<i32>} : memref<2x128xi32, #tpu.memory_space<vmem>>, vector<16xi32>,
    tpu.vector_store %arg14[%swap3A_117, %swap3A_118], %add3A_115 {strides = array<i32>} : memref<2x128xi32, #tpu.memory_space<vmem>>, vector<16xi32>,
    %add3A_120 = arith.constant 128 : i32
    %add3A_121 = arith.addi %mul3A_2, %add3A_120 : i32
    %get3A_122 = arith.index_cast %add3A_121 : i32 to index
    %get3A_123 = tpu.vector_load %arg13[%get3A_122] {strides = array<i32>} : memref<8192xi32, #tpu.memory_space<vmem>>, vector<16xi32>,
    %add3A_124 = vector.broadcast %add3A_121 : i32 to vector<16xi32>
    %add3A_125 = arith.addi %iota3A, %add3A_124 : vector<16xi32>
    %add3A_126 = arith.addi %add3A_125, %get3A_17 : vector<16xi32>
    %swap3A_127 = arith.constant 1 : i32
    %swap3A_128 = arith.index_cast %swap3A_127 : i32 to index
    %swap3A_129 = arith.constant 0 : index
    %swap3A_130 = tpu.vector_load %arg14[%swap3A_128, %swap3A_129] {strides = array<i32>} : memref<2x128xi32, #tpu.memory_space<vmem>>, vector<16xi32>,
    tpu.vector_store %arg14[%swap3A_128, %swap3A_129], %add3A_126 {strides = array<i32>} : memref<2x128xi32, #tpu.memory_space<vmem>>, vector<16xi32>,
    %add3A_131 = arith.constant 144 : i32
    %add3A_132 = arith.addi %mul3A_2, %add3A_131 : i32
    %get3A_133 = arith.index_cast %add3A_132 : i32 to index
    %get3A_134 = tpu.vector_load %arg13[%get3A_133] {strides = array<i32>} : memref<8192xi32, #tpu.memory_space<vmem>>, vector<16xi32>,
    %add3A_135 = vector.broadcast %add3A_132 : i32 to vector<16xi32>
    %add3A_136 = arith.addi %iota3A, %add3A_135 : vector<16xi32>
    %add3A_137 = arith.addi %add3A_136, %get3A_17 : vector<16xi32>
    %swap3A_138 = arith.constant 1 : i32
    %swap3A_139 = arith.index_cast %swap3A_138 : i32 to index
    %swap3A_140 = arith.constant 16 : index
    %swap3A_141 = tpu.vector_load %arg14[%swap3A_139, %swap3A_140] {strides = array<i32>} : memref<2x128xi32, #tpu.memory_space<vmem>>, vector<16xi32>,
    tpu.vector_store %arg14[%swap3A_139, %swap3A_140], %add3A_137 {strides = array<i32>} : memref<2x128xi32, #tpu.memory_space<vmem>>, vector<16xi32>,
    %add3A_142 = arith.constant 160 : i32
    %add3A_143 = arith.addi %mul3A_2, %add3A_142 : i32
    %get3A_144 = arith.index_cast %add3A_143 : i32 to index
    %get3A_145 = tpu.vector_load %arg13[%get3A_144] {strides = array<i32>} : memref<8192xi32, #tpu.memory_space<vmem>>, vector<16xi32>,
    %add3A_146 = vector.broadcast %add3A_143 : i32 to vector<16xi32>
    %add3A_147 = arith.addi %iota3A, %add3A_146 : vector<16xi32>
    %add3A_148 = arith.addi %add3A_147, %get3A_17 : vector<16xi32>
    %swap3A_149 = arith.constant 1 : i32
    %swap3A_150 = arith.index_cast %swap3A_149 : i32 to index
    %swap3A_151 = arith.constant 32 : index
    %swap3A_152 = tpu.vector_load %arg14[%swap3A_150, %swap3A_151] {strides = array<i32>} : memref<2x128xi32, #tpu.memory_space<vmem>>, vector<16xi32>,
    tpu.vector_store %arg14[%swap3A_150, %swap3A_151], %add3A_148 {strides = array<i32>} : memref<2x128xi32, #tpu.memory_space<vmem>>, vector<16xi32>,
    %add3A_153 = arith.constant 176 : i32
    %add3A_154 = arith.addi %mul3A_2, %add3A_153 : i32
    %get3A_155 = arith.index_cast %add3A_154 : i32 to index
    %get3A_156 = tpu.vector_load %arg13[%get3A_155] {strides = array<i32>} : memref<8192xi32, #tpu.memory_space<vmem>>, vector<16xi32>,
    %add3A_157 = vector.broadcast %add3A_154 : i32 to vector<16xi32>
    %add3A_158 = arith.addi %iota3A, %add3A_157 : vector<16xi32>
    %add3A_159 = arith.addi %add3A_158, %get3A_17 : vector<16xi32>
    %swap3A_160 = arith.constant 1 : i32
    %swap3A_161 = arith.index_cast %swap3A_160 : i32 to index
    %swap3A_162 = arith.constant 48 : index
    %swap3A_163 = tpu.vector_load %arg14[%swap3A_161, %swap3A_162] {strides = array<i32>} : memref<2x128xi32, #tpu.memory_space<vmem>>, vector<16xi32>,
    tpu.vector_store %arg14[%swap3A_161, %swap3A_162], %add3A_159 {strides = array<i32>} : memref<2x128xi32, #tpu.memory_space<vmem>>, vector<16xi32>,
    %add3A_164 = arith.constant 192 : i32
    %add3A_165 = arith.addi %mul3A_2, %add3A_164 : i32
    %get3A_166 = arith.index_cast %add3A_165 : i32 to index
    %get3A_167 = tpu.vector_load %arg13[%get3A_166] {strides = array<i32>} : memref<8192xi32, #tpu.memory_space<vmem>>, vector<16xi32>,
    %add3A_168 = vector.broadcast %add3A_165 : i32 to vector<16xi32>
    %add3A_169 = arith.addi %iota3A, %add3A_168 : vector<16xi32>
    %add3A_170 = arith.addi %add3A_169, %get3A_17 : vector<16xi32>
    %swap3A_171 = arith.constant 1 : i32
    %swap3A_172 = arith.index_cast %swap3A_171 : i32 to index
    %swap3A_173 = arith.constant 64 : index
    %swap3A_174 = tpu.vector_load %arg14[%swap3A_172, %swap3A_173] {strides = array<i32>} : memref<2x128xi32, #tpu.memory_space<vmem>>, vector<16xi32>,
    tpu.vector_store %arg14[%swap3A_172, %swap3A_173], %add3A_170 {strides = array<i32>} : memref<2x128xi32, #tpu.memory_space<vmem>>, vector<16xi32>,
    %add3A_175 = arith.constant 208 : i32
    %add3A_176 = arith.addi %mul3A_2, %add3A_175 : i32
    %get3A_177 = arith.index_cast %add3A_176 : i32 to index
    %get3A_178 = tpu.vector_load %arg13[%get3A_177] {strides = array<i32>} : memref<8192xi32, #tpu.memory_space<vmem>>, vector<16xi32>,
    %add3A_179 = vector.broadcast %add3A_176 : i32 to vector<16xi32>
    %add3A_180 = arith.addi %iota3A, %add3A_179 : vector<16xi32>
    %add3A_181 = arith.addi %add3A_180, %get3A_17 : vector<16xi32>
    %swap3A_182 = arith.constant 1 : i32
    %swap3A_183 = arith.index_cast %swap3A_182 : i32 to index
    %swap3A_184 = arith.constant 80 : index
    %swap3A_185 = tpu.vector_load %arg14[%swap3A_183, %swap3A_184] {strides = array<i32>} : memref<2x128xi32, #tpu.memory_space<vmem>>, vector<16xi32>,
    tpu.vector_store %arg14[%swap3A_183, %swap3A_184], %add3A_181 {strides = array<i32>} : memref<2x128xi32, #tpu.memory_space<vmem>>, vector<16xi32>,
    %add3A_186 = arith.constant 224 : i32
    %add3A_187 = arith.addi %mul3A_2, %add3A_186 : i32
    %get3A_188 = arith.index_cast %add3A_187 : i32 to index
    %get3A_189 = tpu.vector_load %arg13[%get3A_188] {strides = array<i32>} : memref<8192xi32, #tpu.memory_space<vmem>>, vector<16xi32>,
    %add3A_190 = vector.broadcast %add3A_187 : i32 to vector<16xi32>
    %add3A_191 = arith.addi %iota3A, %add3A_190 : vector<16xi32>
    %add3A_192 = arith.addi %add3A_191, %get3A_17 : vector<16xi32>
    %swap3A_193 = arith.constant 1 : i32
    %swap3A_194 = arith.index_cast %swap3A_193 : i32 to index
    %swap3A_195 = arith.constant 96 : index
    %swap3A_196 = tpu.vector_load %arg14[%swap3A_194, %swap3A_195] {strides = array<i32>} : memref<2x128xi32, #tpu.memory_space<vmem>>, vector<16xi32>,
    tpu.vector_store %arg14[%swap3A_194, %swap3A_195], %add3A_192 {strides = array<i32>} : memref<2x128xi32, #tpu.memory_space<vmem>>, vector<16xi32>,
    %add3A_197 = arith.constant 240 : i32
    %add3A_198 = arith.addi %mul3A_2, %add3A_197 : i32
    %get3A_199 = arith.index_cast %add3A_198 : i32 to index
    %get3A_200 = tpu.vector_load %arg13[%get3A_199] {strides = array<i32>} : memref<8192xi32, #tpu.memory_space<vmem>>, vector<16xi32>,
    %add3A_201 = vector.broadcast %add3A_198 : i32 to vector<16xi32>
    %add3A_202 = arith.addi %iota3A, %add3A_201 : vector<16xi32>
    %add3A_203 = arith.addi %add3A_202, %get3A_17 : vector<16xi32>
    %swap3A_204 = arith.constant 1 : i32
    %swap3A_205 = arith.index_cast %swap3A_204 : i32 to index
    %swap3A_206 = arith.constant 112 : index
    %swap3A_207 = tpu.vector_load %arg14[%swap3A_205, %swap3A_206] {strides = array<i32>} : memref<2x128xi32, #tpu.memory_space<vmem>>, vector<16xi32>,
    tpu.vector_store %arg14[%swap3A_205, %swap3A_206], %add3A_203 {strides = array<i32>} : memref<2x128xi32, #tpu.memory_space<vmem>>, vector<16xi32>,
    %broadcast_in_dim3A_208 = vector.broadcast %multiple_of3A : i32 to vector<16xi32>
    %add3A_209 = arith.constant 0 : i32
    %add3A_210 = vector.broadcast %add3A_209 : i32 to vector<16xi32>
    %add3A_211 = arith.addi %iota3A, %add3A_210 : vector<16xi32>
    %add3A_212 = arith.constant 16 : i32
    %add3A_213 = vector.broadcast %add3A_212 : i32 to vector<16xi32>
    %add3A_214 = arith.addi %iota3A, %add3A_213 : vector<16xi32>
    %add3A_215 = arith.constant 32 : i32
    %add3A_216 = vector.broadcast %add3A_215 : i32 to vector<16xi32>
    %add3A_217 = arith.addi %iota3A, %add3A_216 : vector<16xi32>
    %add3A_218 = arith.constant 48 : i32
    %add3A_219 = vector.broadcast %add3A_218 : i32 to vector<16xi32>
    %add3A_220 = arith.addi %iota3A, %add3A_219 : vector<16xi32>
    %add3A_221 = arith.constant 64 : i32
    %add3A_222 = vector.broadcast %add3A_221 : i32 to vector<16xi32>
    %add3A_223 = arith.addi %iota3A, %add3A_222 : vector<16xi32>
    %add3A_224 = arith.constant 80 : i32
    %add3A_225 = vector.broadcast %add3A_224 : i32 to vector<16xi32>
    %add3A_226 = arith.addi %iota3A, %add3A_225 : vector<16xi32>
    %add3A_227 = arith.constant 96 : i32
    %add3A_228 = vector.broadcast %add3A_227 : i32 to vector<16xi32>
    %add3A_229 = arith.addi %iota3A, %add3A_228 : vector<16xi32>
    %add3A_230 = arith.constant 112 : i32
    %add3A_231 = vector.broadcast %add3A_230 : i32 to vector<16xi32>
    %add3A_232 = arith.addi %iota3A, %add3A_231 : vector<16xi32>
    %get3A_233 = arith.constant 0 : index
    %get3A_234 = tpu.vector_load %arg17[%get3A_233] {strides = array<i32>} : memref<128xf32, #tpu.memory_space<vmem>>, vector<16xf32>,
    %get3A_235 = arith.constant 16 : index
    %get3A_236 = tpu.vector_load %arg17[%get3A_235] {strides = array<i32>} : memref<128xf32, #tpu.memory_space<vmem>>, vector<16xf32>,
    %get3A_237 = arith.constant 32 : index
    %get3A_238 = tpu.vector_load %arg17[%get3A_237] {strides = array<i32>} : memref<128xf32, #tpu.memory_space<vmem>>, vector<16xf32>,
    %get3A_239 = arith.constant 48 : index
    %get3A_240 = tpu.vector_load %arg17[%get3A_239] {strides = array<i32>} : memref<128xf32, #tpu.memory_space<vmem>>, vector<16xf32>,
    %get3A_241 = arith.constant 64 : index
    %get3A_242 = tpu.vector_load %arg17[%get3A_241] {strides = array<i32>} : memref<128xf32, #tpu.memory_space<vmem>>, vector<16xf32>,
    %get3A_243 = arith.constant 80 : index
    %get3A_244 = tpu.vector_load %arg17[%get3A_243] {strides = array<i32>} : memref<128xf32, #tpu.memory_space<vmem>>, vector<16xf32>,
    %get3A_245 = arith.constant 96 : index
    %get3A_246 = tpu.vector_load %arg17[%get3A_245] {strides = array<i32>} : memref<128xf32, #tpu.memory_space<vmem>>, vector<16xf32>,
    %get3A_247 = arith.constant 112 : index
    %get3A_248 = tpu.vector_load %arg17[%get3A_247] {strides = array<i32>} : memref<128xf32, #tpu.memory_space<vmem>>, vector<16xf32>,
    %get3A_249 = arith.constant 0 : index
    %get3A_250 = tpu.vector_load %arg18[%get3A_249] {strides = array<i32>} : memref<128xf32, #tpu.memory_space<vmem>>, vector<16xf32>,
    %get3A_251 = arith.constant 16 : index
    %get3A_252 = tpu.vector_load %arg18[%get3A_251] {strides = array<i32>} : memref<128xf32, #tpu.memory_space<vmem>>, vector<16xf32>,
    %get3A_253 = arith.constant 32 : index
    %get3A_254 = tpu.vector_load %arg18[%get3A_253] {strides = array<i32>} : memref<128xf32, #tpu.memory_space<vmem>>, vector<16xf32>,
    %get3A_255 = arith.constant 48 : index
    %get3A_256 = tpu.vector_load %arg18[%get3A_255] {strides = array<i32>} : memref<128xf32, #tpu.memory_space<vmem>>, vector<16xf32>,
    %get3A_257 = arith.constant 64 : index
    %get3A_258 = tpu.vector_load %arg18[%get3A_257] {strides = array<i32>} : memref<128xf32, #tpu.memory_space<vmem>>, vector<16xf32>,
    %get3A_259 = arith.constant 80 : index
    %get3A_260 = tpu.vector_load %arg18[%get3A_259] {strides = array<i32>} : memref<128xf32, #tpu.memory_space<vmem>>, vector<16xf32>,
    %get3A_261 = arith.constant 96 : index
    %get3A_262 = tpu.vector_load %arg18[%get3A_261] {strides = array<i32>} : memref<128xf32, #tpu.memory_space<vmem>>, vector<16xf32>,
    %get3A_263 = arith.constant 112 : index
    %get3A_264 = tpu.vector_load %arg18[%get3A_263] {strides = array<i32>} : memref<128xf32, #tpu.memory_space<vmem>>, vector<16xf32>,
    %dma_start3A_265 = arith.constant 0 : i32
    %dma_start3A_266 = arith.constant 0 : i32
    %dma_start3A_267 = tpu.memref_slice %arg21[%dma_start3A_265, %dma_start3A_266] : memref<128x128xf32, #tpu.memory_space<vmem>> -> memref<16x128xf32, #tpu.memory_space<vmem>>
    %dma_start3A_268 = arith.constant 0 : i32
    %dma_start3A_269 = tpu.memref_slice %arg11[%mul3A_2, %dma_start3A_268] : memref<8192x128xf32, #tpu.memory_space<hbm>> -> memref<16x128xf32, #tpu.memory_space<hbm>>
    %dma_start3A_270 = arith.constant 0 : i32
    %dma_start3A_271 = tpu.memref_slice %arg11[%mul3A_2, %dma_start3A_270] : memref<8192x128xf32, #tpu.memory_space<hbm>> -> memref<16x128xf32, #tpu.memory_space<hbm>>
    %dma_start3A_272 = arith.constant 0 : i32
    %dma_start3A_273 = arith.constant 0 : i32
    %dma_start3A_274 = tpu.memref_slice %arg21[%dma_start3A_272, %dma_start3A_273] : memref<128x128xf32, #tpu.memory_space<vmem>> -> memref<16x128xf32, #tpu.memory_space<vmem>>
    tpu.enqueue_dma source(%dma_start3A_274 : memref<16x128xf32, #tpu.memory_space<vmem>>) target(%dma_start3A_271 : memref<16x128xf32, #tpu.memory_space<hbm>>) target_semaphore(%arg29 : memref<!tpu.dma_semaphore, #tpu.memory_space<semaphore_mem>>)
    %add3A_275 = arith.constant 128 : i32
    %add3A_276 = arith.addi %mul3A_2, %add3A_275 : i32
    %dma_start3A_277 = arith.constant 0 : i32
    %dma_start3A_278 = arith.constant 0 : i32
    %dma_start3A_279 = tpu.memref_slice %arg22[%dma_start3A_277, %dma_start3A_278] : memref<128x128xf32, #tpu.memory_space<vmem>> -> memref<16x128xf32, #tpu.memory_space<vmem>>
    %dma_start3A_280 = arith.constant 0 : i32
    %dma_start3A_281 = tpu.memref_slice %arg11[%add3A_276, %dma_start3A_280] : memref<8192x128xf32, #tpu.memory_space<hbm>> -> memref<16x128xf32, #tpu.memory_space<hbm>>
    %dma_start3A_282 = arith.constant 0 : i32
    %dma_start3A_283 = tpu.memref_slice %arg11[%add3A_276, %dma_start3A_282] : memref<8192x128xf32, #tpu.memory_space<hbm>> -> memref<16x128xf32, #tpu.memory_space<hbm>>
    %dma_start3A_284 = arith.constant 0 : i32
    %dma_start3A_285 = arith.constant 0 : i32
    %dma_start3A_286 = tpu.memref_slice %arg22[%dma_start3A_284, %dma_start3A_285] : memref<128x128xf32, #tpu.memory_space<vmem>> -> memref<16x128xf32, #tpu.memory_space<vmem>>
    tpu.enqueue_dma source(%dma_start3A_286 : memref<16x128xf32, #tpu.memory_space<vmem>>) target(%dma_start3A_283 : memref<16x128xf32, #tpu.memory_space<hbm>>) target_semaphore(%arg30 : memref<!tpu.dma_semaphore, #tpu.memory_space<semaphore_mem>>)
    %eq3A = arith.constant 31 : i32
    %eq3A_287 = arith.cmpi eq, %add3A, %eq3A : i32
    %convert_element_type3A = arith.extui %eq3A_287 : i1 to i32
    %cond3A = arith.constant 0 : i32
    %cond3A_288 = arith.cmpi ne, %convert_element_type3A, %cond3A : i32
    scf.if %cond3A_288 {
      %sub3A_309 = arith.constant 8192 : i32
      %sub3A_310 = vector.broadcast %sub3A_309 : i32 to vector<16xi32>
      %sub3A_311 = arith.subi %sub3A_310, %broadcast_in_dim3A_32 : vector<16xi32>
      %add3A_312 = arith.addi %get3A_17, %sub3A_311 : vector<16xi32>
      %swap3A_313 = arith.constant 0 : index
      %swap3A_314 = tpu.vector_load %arg20[%swap3A_313] {strides = array<i32>} : memref<16xi32, #tpu.memory_space<vmem>>, vector<16xi32>,
      tpu.vector_store %arg20[%swap3A_313], %add3A_312 {strides = array<i32>} : memref<16xi32, #tpu.memory_space<vmem>>, vector<16xi32>,
      "tpu.region"() ({
        %run_scoped3A = tpu.sem_alloc : memref<!tpu.dma_semaphore, #tpu.memory_space<semaphore_mem>>
        tpu.enqueue_dma source(%arg20 : memref<16xi32, #tpu.memory_space<vmem>>) target(%arg12 : memref<16xi32, #tpu.memory_space<hbm>>) target_semaphore(%run_scoped3A : memref<!tpu.dma_semaphore, #tpu.memory_space<semaphore_mem>>)
        tpu.wait_dma2 semaphore(%run_scoped3A : memref<!tpu.dma_semaphore, #tpu.memory_space<semaphore_mem>>) src(%arg20 : memref<16xi32, #tpu.memory_space<vmem>>) dst(%arg12 : memref<16xi32, #tpu.memory_space<hbm>>)
        tpu.yield
      }) : () -> ()
    } else {
    }
    %dma_wait3A_289 = arith.constant 0 : i32
    %dma_wait3A_290 = arith.constant 0 : i32
    %dma_wait3A_291 = tpu.memref_slice %arg21[%dma_wait3A_289, %dma_wait3A_290] : memref<128x128xf32, #tpu.memory_space<vmem>> -> memref<16x128xf32, #tpu.memory_space<vmem>>
    %dma_wait3A_292 = arith.constant 0 : i32
    %dma_wait3A_293 = tpu.memref_slice %arg11[%mul3A_2, %dma_wait3A_292] : memref<8192x128xf32, #tpu.memory_space<hbm>> -> memref<16x128xf32, #tpu.memory_space<hbm>>
    %dma_wait3A_294 = arith.constant 0 : i32
    %dma_wait3A_295 = tpu.memref_slice %arg11[%mul3A_2, %dma_wait3A_294] : memref<8192x128xf32, #tpu.memory_space<hbm>> -> memref<16x128xf32, #tpu.memory_space<hbm>>
    %dma_wait3A_296 = arith.constant 0 : i32
    %dma_wait3A_297 = arith.constant 0 : i32
    %dma_wait3A_298 = tpu.memref_slice %arg21[%dma_wait3A_296, %dma_wait3A_297] : memref<128x128xf32, #tpu.memory_space<vmem>> -> memref<16x128xf32, #tpu.memory_space<vmem>>
    tpu.wait_dma2 semaphore(%arg29 : memref<!tpu.dma_semaphore, #tpu.memory_space<semaphore_mem>>) src(%dma_wait3A_298 : memref<16x128xf32, #tpu.memory_space<vmem>>) dst(%dma_wait3A_295 : memref<16x128xf32, #tpu.memory_space<hbm>>)
    %dma_wait3A_299 = arith.constant 0 : i32
    %dma_wait3A_300 = arith.constant 0 : i32
    %dma_wait3A_301 = tpu.memref_slice %arg22[%dma_wait3A_299, %dma_wait3A_300] : memref<128x128xf32, #tpu.memory_space<vmem>> -> memref<16x128xf32, #tpu.memory_space<vmem>>
    %dma_wait3A_302 = arith.constant 0 : i32
    %dma_wait3A_303 = tpu.memref_slice %arg11[%add3A_276, %dma_wait3A_302] : memref<8192x128xf32, #tpu.memory_space<hbm>> -> memref<16x128xf32, #tpu.memory_space<hbm>>
    %dma_wait3A_304 = arith.constant 0 : i32
    %dma_wait3A_305 = tpu.memref_slice %arg11[%add3A_276, %dma_wait3A_304] : memref<8192x128xf32, #tpu.memory_space<hbm>> -> memref<16x128xf32, #tpu.memory_space<hbm>>
    %dma_wait3A_306 = arith.constant 0 : i32
    %dma_wait3A_307 = arith.constant 0 : i32
    %dma_wait3A_308 = tpu.memref_slice %arg22[%dma_wait3A_306, %dma_wait3A_307] : memref<128x128xf32, #tpu.memory_space<vmem>> -> memref<16x128xf32, #tpu.memory_space<vmem>>
    tpu.wait_dma2 semaphore(%arg30 : memref<!tpu.dma_semaphore, #tpu.memory_space<semaphore_mem>>) src(%dma_wait3A_308 : memref<16x128xf32, #tpu.memory_space<vmem>>) dst(%dma_wait3A_305 : memref<16x128xf32, #tpu.memory_space<hbm>>)
    return
  }
}

</mosaic_0001>

<sc_bundles>
// kernel: _run.3.cloned.1.call-start
scs
__scs_entry_jumppad:
0x0: {  	(pc) =	sbr.rel $0x88, $3  }
0x1: {  	(tag) =	ssettag $0x0;
	lr =	simm.s32 $0x1  }
0x2: {  	[smem:$0x3F98] =	sst lr;
	_ =	strace $0xD0000000  }
0x3: {  	_ = 	snop  }
0x4: {  	_ = 	snop  }
0x5: {  	_ = 	snop  }
0x6: {  	_ = 	snop  }
0x7: {  	_ = 	snop  }
__scs_overlays_trampoline_lowered:
0x8: {  	[smem:$0x3FA7] =	sst s0  }
0x9: {  	[smem:$0x3FA8] =	sst s1  }
0xa: {  	[smem:$0x3FA9] =	sst s2  }
0xb: {  	[smem:$0x3FAA] =	sst s3  }
0xc: {  	[smem:$0x3FAB] =	sst s4  }
0xd: {  	[smem:$0x3FAC] =	sst s5  }
0xe: {  	[smem:$0x3FAD] =	sst s6  }
0xf: {  	[smem:$0x3FAE] =	sst s7  }
0x10: {  	[smem:$0x3FAF] =	sst s8  }
0x11: {  	[smem:$0x3FB0] =	sst s9;
	s0 =	simm.s32 @!p0 $0x0  }
0x12: {  	s1 =	sld [smem:$0x3F96];
	s0 =	simm.s32 @p0 $0x1  }
0x13: {  	[smem:$0x3FB1] =	sst s0;
	s0 =	simm.s32 @!p1 $0x0  }
0x14: {  	s2 =	sld [smem:$0x3F95];
	s0 =	simm.s32 @p1 $0x1  }
0x15: {  	[smem:$0x3FB2] =	sst s0;
	s0 =	simm.s32 @!p2 $0x0  }
0x16: {  	s3 =	sld [smem:$0x3FDB];
	s0 =	simm.s32 @p2 $0x1  }
0x17: {  	s4 =	simm.s32 $0x1BF5;
	[smem:$0x3FB4] =	sst s0  }
0x18: {  	s0 =	sld [smem:$0x3F97];
	_ =	swait.ge [sflag:s4], $0x0  }
0x19: {  	s7 =	sld [smem:$0x3F98]  }
0x1a: {  	s8 =	sadd.s32 $0xFFFFE003, lr  }
0x1b: {  	s9 =	sadd.s32 $0xFFFFFEF7, lr;
	s5 =	simm.s32 $0xFFFFFFFF;
	p2 =	slt.u32 s8, $0xFFFFF086  }
0x1c: {  	p1 =	slt.u32 s9, $0xF7A;
	s5 =	simm.s32 @!p2 $0x0  }
0x1d: {  	s5 =	simm.s32 @p1 $0x1;
	p0 =	seq.s32 s7, s2  }
0x1e: {  	s7 =	smul.u32 @!p0 $0xF7A, s2;
	p2 =	seq.s32 @!p0 s5, $0x0  }
0x1f: {  	s9 =	smul.u32 $0xF7A, s1;
	s8 =	simm.s32 @!p0 $0x1BF5;
	p2 =	por !p2, p0  }
0x20: {  	[sflag:s8] =	ssyncset.s32 @!p0 $0xFFFFF086;
	s6 =	sadd.s32 @!p0 s3, s7;
	s7 =	simm.s32 @!p0 $0x108  }
0x21: {  	s3 =	sadd.s32 s3, s9;
	s6 =	sadd.s32 @!p0 $0x88, s6;
	s7 =	simm.s32 @p2 $0x1082  }
0x22: {  	[simem:s7], [sflag:s8] =	dma.local @!p0 [hbm:s6], $0xF7A  }
0x23: {  	s9 =	sor.u32 $0xD0000000, s2;
	s6 =	simm.s32 $0x108;
	_ =	swait.ge @!p0 [sflag:s8], $0x0  }
0x24: {  	s3 =	sadd.s32 $0x88, s3;
	s6 =	simm.s32 @!p1 $0x1082;
	[sflag:s4] =	ssyncset.s32 $0xFFFFF086  }
0x25: {  	[simem:s6], [sflag:s4] =	dma.local [hbm:s3], $0xF7A  }
0x26: {  	[smem:$0x3F98] =	sst s1;
	(tag) =	ssettag s2;
	_ =	strace s9  }
0x27: {  	s1 =	sld [smem:$0x3FA8]  }
0x28: {  	s2 =	sld [smem:$0x3FA9]  }
0x29: {  	s4 =	sld [smem:$0x3FAB]  }
0x2a: {  	p0 =	seq.s32 s5, $0x0;
	s5 =	sld [smem:$0x3FAC]  }
0x2b: {  	s6 =	sld [smem:$0x3FAD]  }
0x2c: {  	s7 =	sld [smem:$0x3FAE]  }
0x2d: {  	s3 =	simm.s32 $0x108;
	s8 =	sld [smem:$0x3FAF]  }
0x2e: {  	s3 =	simm.s32 @!p0 $0x1082;
	s9 =	sld [smem:$0x3FB0]  }
0x2f: {  	lr =	sadd.s32 s0, s3;
	s0 =	sld [smem:$0x3FA7]  }
0x30: {  	s3 =	sld [smem:$0x3FAA]  }
0x31: {  	[smem:$0x3FB3] =	sst s10  }
0x32: {  	s10 =	sld [smem:$0x3FB1];
	_ =	sdelay $0x3  }
0x33: {  	p0 =	seq.s32 s10, $0x1;
	s10 =	sld [smem:$0x3FB3];
	_ =	sdelay $0x3  }
0x34: {  	[smem:$0x3FB3] =	sst s10  }
0x35: {  	s10 =	sld [smem:$0x3FB2];
	_ =	sdelay $0x3  }
0x36: {  	p1 =	seq.s32 s10, $0x1;
	s10 =	sld [smem:$0x3FB3];
	_ =	sdelay $0x3  }
0x37: {  	[smem:$0x3FB3] =	sst s10  }
0x38: {  	s10 =	sld [smem:$0x3FB4]  }
0x39: {  	_ = 	snop;
	(pc) =	sbr.ind lr, $3  }
0x3a: {  	_ = 	snop  }
0x3b: {  	_ = 	snop  }
0x3c: {  	p2 =	seq.s32 s10, $0x1;
	s10 =	sld [smem:$0x3FB3]  }
0x3d: {  	_ =	shalt  }
0x3e: {  	_ =	shalt  }
0x3f: {  	_ =	shalt  }
0x40: {  	_ =	shalt  }
0x41: {  	_ =	shalt  }
0x42: {  	_ =	shalt  }
0x43: {  	_ =	shalt  }
0x44: {  	_ =	shalt  }
0x45: {  	_ =	shalt  }
0x46: {  	_ =	shalt  }
0x47: {  	_ =	shalt  }
0x48: {  	_ =	shalt  }
0x49: {  	_ =	shalt  }
0x4a: {  	_ =	shalt  }
0x4b: {  	_ =	shalt  }
0x4c: {  	_ =	shalt  }
0x4d: {  	_ =	shalt  }
0x4e: {  	_ =	shalt  }
0x4f: {  	_ =	shalt  }
0x50: {  	_ =	shalt  }
0x51: {  	_ =	shalt  }
0x52: {  	_ =	shalt  }
0x53: {  	_ =	shalt  }
0x54: {  	_ =	shalt  }
0x55: {  	_ =	shalt  }
0x56: {  	_ =	shalt  }
0x57: {  	_ =	shalt  }
0x58: {  	_ =	shalt  }
0x59: {  	_ =	shalt  }
0x5a: {  	_ =	shalt  }
0x5b: {  	_ =	shalt  }
0x5c: {  	_ =	shalt  }
0x5d: {  	_ =	shalt  }
0x5e: {  	_ =	shalt  }
0x5f: {  	_ =	shalt  }
0x60: {  	_ =	shalt  }
0x61: {  	_ =	shalt  }
0x62: {  	_ =	shalt  }
0x63: {  	_ =	shalt  }
0x64: {  	_ =	shalt  }
0x65: {  	_ =	shalt  }
0x66: {  	_ =	shalt  }
0x67: {  	_ =	shalt  }
0x68: {  	_ =	shalt  }
0x69: {  	_ =	shalt  }
0x6a: {  	_ =	shalt  }
0x6b: {  	_ =	shalt  }
0x6c: {  	_ =	shalt  }
0x6d: {  	_ =	shalt  }
0x6e: {  	_ =	shalt  }
0x6f: {  	_ =	shalt  }
0x70: {  	_ =	shalt  }
0x71: {  	_ =	shalt  }
0x72: {  	_ =	shalt  }
0x73: {  	_ =	shalt  }
0x74: {  	_ =	shalt  }
0x75: {  	_ =	shalt  }
0x76: {  	_ =	shalt  }
0x77: {  	_ =	shalt  }
0x78: {  	_ =	shalt  }
0x79: {  	_ =	shalt  }
0x7a: {  	_ =	shalt  }
0x7b: {  	_ =	shalt  }
0x7c: {  	_ =	shalt  }
0x7d: {  	_ =	shalt  }
0x7e: {  	_ =	shalt  }
0x7f: {  	_ =	shalt  }
0x80: {  	_ =	shalt  }
0x81: {  	_ =	shalt  }
0x82: {  	_ =	shalt  }
0x83: {  	_ =	shalt  }
0x84: {  	_ =	shalt  }
0x85: {  	_ =	shalt  }
0x86: {  	_ =	shalt  }
0x87: {  	_ =	shalt  }
.Lfunc_end0:
.L_simem_size_0:
called_computation_lowered:
.L_overlay_start_0:
0x88: {  	s2 =	sld [smem:$0x3FD9]  }
0x89: {  	s3 =	sld [smem:$0x3FFE];
	_ =	sdelay $0x1  }
0x8a: {  	s1 =	srdreg.scid  }
0x8b: {  	s0 =	sand.u32 $0x1, s1  }
0x8c: {  	s15 =	sshll.u32 s0, $0xA;
	s2 =	sadd.s32 s3, s2  }
0x8d: {  	s2 =	sadd.s32 s2, s15  }
0x8e: {  	[smem:$0x3FBF] =	sst s2  }
0x8f: {  	_ = 	snop  }
0x90: {  	s2 =	sld [smem:$0x3FD0];
	_ =	sdelay $0x1  }
0x91: {  	s16 =	sld [smem:$0x3FC6]  }
0x92: {  	s5 =	simm.s32 $0xA;
	s6 =	simm.s32 $0x10;
	s4 =	sld [smem:$0x3FC5]  }
0x93: {  	[smem:s6], [sflag:s5] =	dma.local [hbm:s2], $0x1  }
0x94: {  	_ =	swait.eq [sflag:s5], $0x1  }
0x95: {  	[sflag:s5] =	ssyncset.done $0x0  }
0x96: {  	s17 =	sld [smem:$0x10];
	[sflag:s5] =	ssyncadd.s32 $0xFFFFFFFF  }
0x97: {  	s18 =	sld [smem:$0x11];
	(tm) =	ssettm $0x1  }
0x98: {  	s19 =	sld [smem:$0x3FFB];
	_ =	sdelay $0x3  }
0x99: {  	_ =	strace s19  }
0x9a: {  	s6 =	sld [smem:$0x3FFC];
	_ =	sdelay $0x3  }
0x9b: {  	_ =	strace s6  }
0x9c: {  	s6 =	sld [smem:$0x3FFD];
	_ =	sdelay $0x3  }
0x9d: {  	_ =	strace s6  }
0x9e: {  	_ =	strace $0x8FFFFFFF  }
0x9f: {  	s20 =	sld [smem:$0x3FDB];
	_ =	sdelay $0x1  }
0xa0: {  	s7 =	simm.s32 $_scs_section_size  }
0xa1: {  	s8 =	simm.s32 $_size__tile_overlayer_lowered;
	s9 =	simm.s32 $_tile_overlayer_lowered  }
0xa2: {  	s23 =	simm.s32 $0x1BFF;
	s22 =	sshll.u32 s9, $0x1;
	s6 =	sadd.s32 s7, s20  }
0xa3: {  	s10 =	simm.s32 $0x0;
	s21 =	sshll.u32 s8, $0x1;
	s8 =	sadd.s32 s22, s6  }
0xa4: {  	[timem:s10], [sflag:s23] =	dma.local [hbm:s8], s21  }
0xa5: {  	_ =	swait.ge [sflag:s23], s21  }
0xa6: {  	s7 =	ssub.s32 $0x0, s21;
	[sflag:s23] =	ssyncset.done $0x0  }
0xa7: {  	[sflag:s23] =	ssyncadd.s32 s7;
	_ =	sdelay $0x1  }
0xa8: {  	s24 =	simm.s32 $0x1B8B  }
0xa9: {  	_ =	swait.ge [sflag:s24], $0x1  }
0xaa: {  	[sflag:s24] =	ssyncset.done $0x0  }
0xab: {  	s25 =	simm.s32 $0x1B8E;
	[sflag:s24] =	ssyncadd.s32 $0xFFFFFFFF  }
0xac: {  	s26 =	simm.s32 $execute0_lowered;
	[smem:$0x3FD2] =	sst s25  }
0xad: {  	s7 =	sshll.u32 s26, $0x1;
	_ =	strace $0x80000046;
	[dreg:$0x1] =	wrdreg $0xFFFFFFFF  }
0xae: {  	s28 =	simm.s32 $_size_execute0_lowered;
	s6 =	sadd.s32 s6, s7;
	[dreg:$0x0] =	wrdreg $0x0  }
0xaf: {  	s7 =	sshll.u32 s28, $0x1;
	[dreg:$0x2] =	wrdreg s6  }
0xb0: {  	[dreg:$0x3] =	wrdreg s7  }
0xb1: {  	[dreg:$0x4] =	wrdreg $0xC0  }
0xb2: {  	_ =	task [dreg:s10], $0x5FFFF  }
0xb3: {  	[dreg:$0x1] =	wrdreg $0xFFFFFFFF  }
0xb4: {  	[dreg:$0x0] =	wrdreg $0x60  }
0xb5: {  	[dreg:$0x2] =	wrdreg s16  }
0xb6: {  	[dreg:$0x3] =	wrdreg s4  }
0xb7: {  	[dreg:$0x4] =	wrdreg s17  }
0xb8: {  	[dreg:$0x5] =	wrdreg s18  }
0xb9: {  	[dreg:$0x6] =	wrdreg $0x9  }
0xba: {  	_ =	task.clear_ibuf [dreg:s10], $0x7FFFF;
	_ =	strace $0x90000046  }
0xbb: {  	s29 =	simm.s32 $0x9;
	_ =	strace $0x80000048  }
0xbc: {  	_ =	swait.ge [sflag:s29], $0x1  }
0xbd: {  	[sflag:s29] =	ssyncadd.s32 $0xFFFFFFFF  }
0xbe: {  	_ =	strace $0x90000048  }
0xbf: {  	_ =	sfence  }
0xc0: {  	s30 =	sld [smem:$0x0];
	_ =	sdelay $0x2  }
0xc1: {  	s31 =	sshll.u32 s1, $0xD;
	s1 =	sshrl.u32 s1, $0x2  }
0xc2: {  	s3 =	sand.u32 $0x4000, s31;
	s1 =	sadd.s32 s1, s30  }
0xc3: {  	s0 =	sor.u32 s3, s0;
	s1 =	sshll.u32 s1, $0x11  }
0xc4: {  	s0 =	sor.u32 s1, s0  }
0xc5: {  	s0 =	sadd.s32 $0x8F2B, s0  }
0xc6: {  	[sflag:s0] =	ssyncadd.remote.s32 $0x1  }
0xc7: {  	_ =	sfence.sel $0xFFFF  }
0xc8: {  	[dreg:$0x0] =	wrdreg $0xFFFFFFFF;
	(pc) =	sbr.abs _section_cstart, $3  }
0xc9: {  	[dreg:$0x1] =	wrdreg $0xFFFFFFFF  }
0xca: {  	_ =	task.clear_ibuf [dreg:s10], $0x2FFFF;
	_ =	strace $0x9FFFFFFF  }
0xcb: {  	(tm) =	ssettm $0x7FFFFFFF  }
tec
execute0_lowered:
.L_overlay_start_1:
0x0: {  	(tag) =	ssettag $0x1  }
0x1: {  	s4 =	rddreg [dreg:$0x0]  }
0x2: {  	s5 =	rddreg [dreg:$0x1]  }
0x3: {  	s9 =	rddreg [dreg:$0x2]  }
0x4: {  	s1 =	rddreg [dreg:$0x3];
	s3 =	simm.s32 $0x0  }
0x5: {  	[smem:$0x7FF] =	sst s3  }
0x6: {  	s0 =	rddreg [dreg:$0x4];
	_ =	strace $0x80000047  }
0x7: {  	[tilespmem:s3], [sflag:$0x3] =	stream.linear.gather [hbm4b:s4+s3], $0x10, $0x38;
	[tilespmem:$0xA200] =	vst v63  }
0x8: {  	s6 =	simm.s32 $0x2100;
	s7 =	simm.s32 $0x3  }
0x9: {  	[tilespmem:s6], [sflag:$0x4] =	stream.linear.gather [hbm4b:s5+s3], $0x80, $0x38;
	[tilespmem:$0xA200] =	vst v63  }
0xa: {  	_ =	swait.ge [sflag:s7], $0x10  }
0xb: {  	[sflag:s7] =	ssyncset.done $0x0  }
0xc: {  	s8 =	simm.s32 $0x4;
	[sflag:s7] =	ssyncadd.s32 $0xFFFFFFF0  }
0xd: {  	_ =	swait.ge [sflag:s8], $0x80  }
0xe: {  	[sflag:s8] =	ssyncset.done $0x0  }
0xf: {  	[sflag:s8] =	ssyncadd.s32 $0xFFFFFF80  }
0x10: {  	s10 =	srdreg.scid;
	s2 =	stileid.u32;
	v10 =	vld [tilespmem:$0x2100]  }
0x11: {  	s10 =	sand.u32 $0x1, s10;
	s11 =	sshll.u32 s2, $0x1  }
0x12: {  	s12 =	sor.u32 s10, s11  }
0x13: {  	v16 =	vlaneseq.u32;
	s11 =	sshll.u32 s12, $0x8  }
0x14: {  	v0 =	vor.u32 s11, v16;
	s13 =	sor.u32 $0xF0, s11  }
0x15: {  	s14 =	sor.u32 $0x10, s11;
	v1 =	vor.u32 s13, v16;
	v3 =	vadd.s32 v10, v0  }
0x16: {  	s18 =	sor.u32 $0x40, s11;
	v2 =	vor.u32 s14, v16;
	v4 =	vadd.s32 v10, v1;
	[tilespmem:$0x2000] =	vst v3  }
0x17: {  	s19 =	sor.u32 $0xB0, s11;
	v5 =	vadd.s32 v10, v2;
	v3 =	vor.u32 s18, v16;
	[tilespmem:$0x20F0] =	vst v4  }
0x18: {  	s20 =	sor.u32 $0x20, s11;
	v4 =	vor.u32 s19, v16;
	[tilespmem:$0x2010] =	vst v5;
	v6 =	vadd.s32 v10, v3  }
0x19: {  	s10 =	ssub.s32 $0x2, s10;
	s21 =	sor.u32 $0xD0, s11;
	v5 =	vor.u32 s20, v16;
	v7 =	vadd.s32 v10, v4;
	[tilespmem:$0x2040] =	vst v6  }
0x1a: {  	s25 =	sshrl.u32 s10, $0x1;
	s22 =	sor.u32 $0xE0, s11;
	v8 =	vadd.s32 v10, v5;
	v6 =	vor.u32 s21, v16;
	[tilespmem:$0x20B0] =	vst v7  }
0x1b: {  	s23 =	sor.u32 $0x60, s11;
	s10 =	ssub.s32 s10, s25;
	v7 =	vor.u32 s22, v16;
	[tilespmem:$0x2020] =	vst v8;
	v9 =	vadd.s32 v10, v6  }
0x1c: {  	s24 =	sor.u32 $0x30, s11;
	s17 =	smax.u32 s10, $0x1;
	v8 =	vor.u32 s23, v16;
	v11 =	vadd.s32 v10, v7;
	[tilespmem:$0x20D0] =	vst v9  }
0x1d: {  	s26 =	sor.u32 $0xC0, s11;
	s13 =	sadd.s32 $0xFFFFFFFF, s17;
	v12 =	vadd.s32 v10, v8;
	v9 =	vor.u32 s24, v16;
	[tilespmem:$0x20E0] =	vst v11  }
0x1e: {  	s15 =	sor.u32 $0x70, s11;
	p1 =	sne.s32 s13, $0x0;
	v11 =	vor.u32 s26, v16;
	[tilespmem:$0x2060] =	vst v12;
	v13 =	vadd.s32 v10, v9  }
.Ltmp0:
0x1f: {  	s28 =	sor.u32 $0x50, s11;
	v12 =	vor.u32 s15, v16;
	v14 =	vadd.s32 v10, v11;
	[tilespmem:$0x2030] =	vst v13;
	(pc) =	sbr.rel @!p1 .LBB2_2-.Ltmp0, $4  }
0x20: {  	s29 =	sor.u32 $0x80, s11;
	s16 =	sor.u32 $0x90, s11;
	s11 =	sor.u32 $0xA0, s11;
	v15 =	vadd.s32 v10, v12;
	v13 =	vor.u32 s28, v16;
	[tilespmem:$0x20C0] =	vst v14  }
0x21: {  	s30 =	sshll.u32 s12, $0xC;
	p0 =	sne.s32 s12, $0x1F;
	s31 =	sshll.u32 s29, $0x4;
	v14 =	vor.u32 s11, v16;
	[tilespmem:$0x2070] =	vst v15;
	v17 =	vadd.s32 v10, v13  }
0x22: {  	s12 =	simm.s32 $0x1;
	s14 =	simm.s32 $0x2200;
	s10 =	sadd.s32 s9, s31;
	v15 =	vor.u32 s29, v16;
	v16 =	vor.u32 s16, v16;
	v19 =	vadd.s32 v10, v14;
	[tilespmem:$0x2050] =	vst v17  }
0x23: {  	s15 =	simm.s32 $0x6200;
	s11 =	sadd.s32 s9, s30;
	s9 =	simm.s32 $0x2;
	v18 =	vadd.s32 v10, v16;
	v17 =	vadd.s32 v10, v15;
	[tilespmem:$0x20A0] =	vst v19  }
.LBB2_1:
0x24: {  	s13 =	sadd.s32 $0xFFFFFFFF, s13;
	[tilespmem:$0x2090] =	vst v18  }
0x25: {  	p1 =	sne.s32 s13, $0x0;
	[tilespmem:$0x2080] =	vst v17  }
0x26: {  	[hbm4b:s11+s3] =	stream.linear.scatter [tilespmem:s14], [sflag:$0x1], $0x800, $0x38;
	[tilespmem:$0xA200] =	vst v63  }
0x27: {  	v10 =	vadd.s32 @!p0 $0x2000, v10;
	s16 =	simm.s32 @!p0 $0x0;
	s17 =	simm.s32 @!p0 $0x2180  }
0x28: {  	[hbm4b:s10+s3] =	stream.linear.scatter [tilespmem:s15], [sflag:$0x2], $0x800, $0x38;
	[tilespmem:$0xA200] =	vst v63  }
0x29: {  	s18 =	simm.s32 @!p0 $0x5;
	[tilespmem:$0x2180] =	vst @!p0 v10  }
0x2a: {  	[hbm4b:s1+s16] =	stream.linear.scatter @!p0 [tilespmem:s17], [sflag:$0x5], $0x80, $0x38;
	[tilespmem:$0xA200] =	vst v63  }
0x2b: {  	_ =	swait.ge @!p0 [sflag:s18], $0x80  }
0x2c: {  	[sflag:s18] =	ssyncset.done @!p0 $0x0  }
0x2d: {  	[sflag:s18] =	ssyncadd.s32 @!p0 $0xFFFFFF80  }
0x2e: {  	_ =	swait.ge [sflag:s12], $0x800  }
0x2f: {  	[sflag:s12] =	ssyncset.done $0x0  }
0x30: {  	[sflag:s12] =	ssyncadd.s32 $0xFFFFF800  }
0x31: {  	_ =	swait.ge [sflag:s9], $0x800  }
0x32: {  	[sflag:s9] =	ssyncset.done $0x0  }
0x33: {  	[sflag:s9] =	ssyncadd.s32 $0xFFFFF800  }
0x34: {  	[tilespmem:s3], [sflag:$0x3] =	stream.linear.gather [hbm4b:s4+s3], $0x10, $0x38;
	[tilespmem:$0xA200] =	vst v63  }
0x35: {  	_ = 	snop  }
0x36: {  	[tilespmem:s6], [sflag:$0x4] =	stream.linear.gather [hbm4b:s5+s3], $0x80, $0x38;
	[tilespmem:$0xA200] =	vst v63  }
0x37: {  	_ =	swait.ge [sflag:s7], $0x10  }
0x38: {  	[sflag:s7] =	ssyncset.done $0x0  }
0x39: {  	[sflag:s7] =	ssyncadd.s32 $0xFFFFFFF0  }
0x3a: {  	_ =	swait.ge [sflag:s8], $0x80  }
0x3b: {  	[sflag:s8] =	ssyncset.done $0x0  }
0x3c: {  	[sflag:s8] =	ssyncadd.s32 $0xFFFFFF80  }
0x3d: {  	v10 =	vld [tilespmem:$0x2100];
	_ =	sdelay $0x4  }
0x3e: {  	v17 =	vadd.s32 v10, v0;
	v18 =	vadd.s32 v10, v2;
	v19 =	vadd.s32 v10, v1  }
0x3f: {  	v20 =	vadd.s32 v10, v5;
	v21 =	vadd.s32 v10, v9;
	v22 =	vadd.s32 v10, v3;
	[tilespmem:$0x2000] =	vst v17  }
0x40: {  	v23 =	vadd.s32 v10, v13;
	v24 =	vadd.s32 v10, v8;
	v25 =	vadd.s32 v10, v4;
	[tilespmem:$0x20F0] =	vst v19  }
0x41: {  	v17 =	vadd.s32 v10, v15;
	v19 =	vadd.s32 v10, v14;
	[tilespmem:$0x2010] =	vst v18;
	v18 =	vadd.s32 v10, v16  }
0x42: {  	v26 =	vadd.s32 v10, v11;
	v27 =	vadd.s32 v10, v6;
	[tilespmem:$0x2040] =	vst v22;
	v22 =	vadd.s32 v10, v12  }
0x43: {  	[tilespmem:$0x20B0] =	vst v25;
	v25 =	vadd.s32 v10, v7  }
0x44: {  	[tilespmem:$0x2020] =	vst v20  }
0x45: {  	[tilespmem:$0x20D0] =	vst v27  }
0x46: {  	[tilespmem:$0x20E0] =	vst v25  }
0x47: {  	[tilespmem:$0x2060] =	vst v24  }
.Ltmp1:
0x48: {  	[tilespmem:$0x2030] =	vst v21;
	(pc) =	sbr.rel @p1 .LBB2_1-.Ltmp1, $4  }
0x49: {  	[tilespmem:$0x20C0] =	vst v26  }
0x4a: {  	[tilespmem:$0x2070] =	vst v22  }
0x4b: {  	[tilespmem:$0x2050] =	vst v23  }
0x4c: {  	[tilespmem:$0x20A0] =	vst v19  }
.LBB2_2:
0x4d: {  	[tilespmem:$0x2090] =	vst v18  }
0x4e: {  	[tilespmem:$0x2080] =	vst v17  }
0x4f: {  	[hbm4b:s11+s3] =	stream.linear.scatter [tilespmem:s14], [sflag:$0x1], $0x800, $0x38;
	[tilespmem:$0xA200] =	vst v63  }
0x50: {  	_ = 	snop  }
0x51: {  	v0 =	vadd.s32 @!p0 $0x2000, v10;
	[hbm4b:s10+s3] =	stream.linear.scatter [tilespmem:s15], [sflag:$0x2], $0x800, $0x38;
	[tilespmem:$0xA200] =	vst v63  }
0x52: {  	s4 =	simm.s32 @!p0 $0x2180;
	s5 =	simm.s32 @!p0 $0x5;
	s3 =	simm.s32 @!p0 $0x0;
	[tilespmem:$0x2180] =	vst @!p0 v0  }
0x53: {  	[hbm4b:s1+s3] =	stream.linear.scatter @!p0 [tilespmem:s4], [sflag:$0x5], $0x80, $0x38;
	[tilespmem:$0xA200] =	vst v63  }
0x54: {  	_ =	swait.ge @!p0 [sflag:s5], $0x80  }
0x55: {  	[sflag:s5] =	ssyncset.done @!p0 $0x0  }
0x56: {  	[sflag:s5] =	ssyncadd.s32 @!p0 $0xFFFFFF80  }
0x57: {  	_ =	swait.ge [sflag:s12], $0x800  }
0x58: {  	[sflag:s12] =	ssyncset.done $0x0  }
0x59: {  	[sflag:s12] =	ssyncadd.s32 $0xFFFFF800  }
0x5a: {  	_ =	swait.ge [sflag:s9], $0x800  }
0x5b: {  	[sflag:s9] =	ssyncset.done $0x0  }
0x5c: {  	[sflag:s9] =	ssyncadd.s32 $0xFFFFF800  }
0x5d: {  	_ =	sfence.sel $0x180000  }
0x5e: {  	[bflag:$0x0] =	sbarrier.arrive $0xFFFF  }
0x5f: {  	p0 =	sne.s32 s2, $0x0;
	_ =	strace $0x90000047  }
0x60: {  	s0 =	sadd.s32 @!p0 $0x100000, s0;
	[bflag:$0x2] =	sbarrier.arrive $0xFFFF  }
0x61: {  	[sflag:s0] =	ssyncadd.tile.s32 @!p0 $0x1;
	_ =	shalt  }
.Lfunc_end2:
_tile_overlayer_lowered:
.L_overlay_start_2:
0x62: {  	(tag) =	ssettag $0x2  }
0x63: {  	s0 =	rddreg [dreg:$0x0];
	s2 =	stileid.u32  }
0x64: {  	s1 =	rddreg [dreg:$0x1];
	p0 =	sne.s32 s2, $0x0  }
0x65: {  	s3 =	rddreg [dreg:$0x2];
	[bflag:$0x3] =	sbarrier.arrive $0xFFFF;
	s2 =	simm.s32 @!p0 $0x1C05  }
0x66: {  	[timem:s3], [sflag:s2] =	dma.local @!p0 [hbm:s0], s1  }
0x67: {  	s0 =	simm.s32 @!p0 $0x5  }
0x68: {  	_ =	swait.ge @!p0 [sflag:s0], s1  }
0x69: {  	s1 =	ssub.s32 @!p0 $0x0, s1;
	[sflag:s0] =	ssyncset.done @!p0 $0x0  }
0x6a: {  	[sflag:s0] =	ssyncadd.s32 @!p0 s1  }
0x6b: {  	[bflag:$0x3] =	sbarrier.arrive $0xFFFF  }
0x6c: {  	_ =	shalt  }

</sc_bundles>
